<compile_context>
chip_gen: v7x
topology: tpu7x:2x2x1
jax: 0.10.2.dev20260603
libtpu: 0.0.44.dev20260713+nightly
codegen_flags: <defaults>
</compile_context>

<pallas_src>
import functools

import jax
import jax.numpy as jnp
from jax import lax
from jax.experimental import pallas as pl
from jax.experimental.pallas import tpu as pltpu
from jax.experimental.pallas import tpu_sc as plsc

R, C = 16384, 200
V, D = 2000, 9
N = R * C
L = 16
NC, NS = 2, 16
NW = NC * NS
COLS = R // NW
SLAB = COLS // 2
KS = SLAB // L
RU = 1
TBL_PAD = 18048
V_PAD = 2048
RS_ITERS = V // L


def _sc_partial_sums(movies_t, table_flat):
    mesh = plsc.VectorSubcoreMesh(core_axis_name="c", subcore_axis_name="s")

    @functools.partial(
        pl.kernel, mesh=mesh,
        out_type=jax.ShapeDtypeStruct((NW, L), jnp.float32),
        compiler_params=pltpu.CompilerParams(needs_layout_passes=False),
        scratch_types=[
            pltpu.VMEM((C, SLAB), jnp.int32),
            pltpu.VMEM((C, SLAB), jnp.int32),
            pltpu.VMEM((TBL_PAD,), jnp.float32),
            pltpu.VMEM((V_PAD,), jnp.float32),
            pltpu.VMEM((L,), jnp.float32),
            pltpu.SemaphoreType.DMA,
            pltpu.SemaphoreType.DMA,
        ],
    )
    def k(mov_hbm, tbl_hbm, out_hbm, mov_a, mov_b, tbl_v, rowsum_v, acc_v,
          sem_a, sem_b):
        wid = lax.axis_index("s") * NC + lax.axis_index("c")
        base = wid * COLS
        pltpu.sync_copy(tbl_hbm, tbl_v.at[pl.ds(0, V * D)])
        h_a = pltpu.async_copy(
            mov_hbm.at[:, pl.ds(base, SLAB)], mov_a, sem_a)

        lane9 = lax.iota(jnp.int32, L) * D

        def rs_body(b, _):
            flat_base = b * (L * D)
            acc = plsc.load_gather(tbl_v, [lane9 + flat_base])
            for kk in range(1, D):
                acc = acc + plsc.load_gather(tbl_v, [lane9 + (flat_base + kk)])
            rowsum_v[pl.ds(b * L, L)] = acc
            return 0

        lax.fori_loop(0, RS_ITERS, rs_body, 0)

        h_a.wait()
        h_b = pltpu.async_copy(
            mov_hbm.at[:, pl.ds(base + SLAB, SLAB)], mov_b, sem_b)

        def gather_chunk(mov_v, accs):
            def body(i, accs):
                accs = list(accs)
                for ru in range(RU):
                    r = i * RU + ru
                    for kk in range(KS):
                        idx = mov_v[r, pl.ds(kk * L, L)]
                        g = plsc.load_gather(rowsum_v, [idx])
                        slot = (ru * KS + kk) % 8
                        accs[slot] = accs[slot] + g
                return tuple(accs)
            return lax.fori_loop(0, C // RU, body, accs)

        zero = jnp.zeros((L,), jnp.float32)
        accs = gather_chunk(mov_a, (zero,) * 8)
        h_b.wait()
        accs = gather_chunk(mov_b, accs)
        acc_v[...] = sum(accs[1:], accs[0])
        pltpu.sync_copy(acc_v, out_hbm.at[wid])

    return k(movies_t, table_flat)


def _tc_finish(partials):
    def body(p_ref, o_ref):
        o_ref[0, 0] = jax.nn.sigmoid(jnp.sum(p_ref[...]) * (1.0 / (N * D)))

    return pl.pallas_call(
        body,
        out_shape=jax.ShapeDtypeStruct((1, 1), jnp.float32),
        out_specs=pl.BlockSpec(memory_space=pltpu.SMEM),
    )(partials)


def kernel(movies, ratings, table):
    del ratings
    partials = _sc_partial_sums(movies.T, table.reshape(-1))
    return _tc_finish(partials)[0, 0]

# --- scband reference (transcript-rebuilt; emitter-appended) ---
"""Pipeline reference for scband-lookup-embedding-classifier-63032940036632 (READ-ONLY COPY).

The authoritative reference and input builder live on the scoring server;
editing this copy changes nothing except your own understanding.
"""

import jax, jax.numpy as jnp
import numpy as np


def setup_inputs(seed: int = 0) -> dict:
    key = jax.random.key(seed)
    k1, k2 = jax.random.split(key)
    movies = jax.random.randint(k1, (16384, 200), 0, 2000, dtype=jnp.int64 if jax.config.jax_enable_x64 else jnp.int32)
    ratings = jax.random.normal(k2, (16384, 200), dtype=jnp.float32)
    # Embedding table: nn.Embedding(2000, 9) with weight.data.fill_(0)
    table = jnp.zeros((2000, 9), dtype=jnp.float32)
    return {"movies": movies, "ratings": ratings, "table": table}


def reference(movies, ratings, table):
    # lookup = self.e(movies.long())
    lookup = jnp.take(table, movies, axis=0)
    # return self.s(lookup.mean())
    return jax.nn.sigmoid(jnp.mean(lookup))

if __name__ == "__main__":
    import jax
    _d = setup_inputs()
    print(jax.jit(kernel)(*tuple(_d.values())))

</pallas_src>

<mosaic_0001>
#map = affine_map<(d0, d1) -> (0, 0)>
#map1 = affine_map<(d0, d1) -> (0)>
module attributes {stable_mosaic.version = 14 : i64} {
  func.func @k(%arg0: i32, %arg1: i32, %arg2: memref<200x16384xi32, #tpu.memory_space<hbm>>, %arg3: memref<18000xf32, #tpu.memory_space<hbm>>, %arg4: memref<32x16xf32, #tpu.memory_space<hbm>>, %arg5: memref<200x256xi32, #tpu.memory_space<vmem>>, %arg6: memref<200x256xi32, #tpu.memory_space<vmem>>, %arg7: memref<18048xf32, #tpu.memory_space<vmem>>, %arg8: memref<2048xf32, #tpu.memory_space<vmem>>, %arg9: memref<16xf32, #tpu.memory_space<vmem>>, %arg10: memref<!tpu.dma_semaphore, #tpu.memory_space<semaphore_mem>>, %arg11: memref<!tpu.dma_semaphore, #tpu.memory_space<semaphore_mem>>) attributes {dimension_semantics = [#tpu.dimension_semantics<core_parallel>, #tpu.dimension_semantics<subcore_parallel>], iteration_bounds = array<i64: 2, 16>, scalar_prefetch = 0 : i64, scratch_operands = 7 : i64, tpu.core_type = #tpu.core_type<sc_vector_subcore>, window_params = [{transform_indices = #map}, {transform_indices = #map1}, {transform_indices = #map}]} {
    %mul3A = arith.constant 2 : i32
    %mul3A_0 = arith.muli %arg1, %mul3A : i32
    %add3A = arith.addi %mul3A_0, %arg0 : i32
    %mul3A_1 = arith.constant 512 : i32
    %mul3A_2 = arith.muli %add3A, %mul3A_1 : i32
    "tpu.region"() ({
      %run_scoped3A = tpu.sem_alloc : memref<!tpu.dma_semaphore, #tpu.memory_space<semaphore_mem>>
      %dma_start3A_49 = arith.constant 0 : i32
      %dma_start3A_50 = tpu.memref_slice %arg7[%dma_start3A_49] : memref<18048xf32, #tpu.memory_space<vmem>> -> memref<18000xf32, #tpu.memory_space<vmem>>
      %dma_start3A_51 = arith.constant 0 : i32
      %dma_start3A_52 = tpu.memref_slice %arg7[%dma_start3A_51] : memref<18048xf32, #tpu.memory_space<vmem>> -> memref<18000xf32, #tpu.memory_space<vmem>>
      tpu.enqueue_dma source(%arg3 : memref<18000xf32, #tpu.memory_space<hbm>>) target(%dma_start3A_52 : memref<18000xf32, #tpu.memory_space<vmem>>) target_semaphore(%run_scoped3A : memref<!tpu.dma_semaphore, #tpu.memory_space<semaphore_mem>>)
      %dma_wait3A_53 = arith.constant 0 : i32
      %dma_wait3A_54 = tpu.memref_slice %arg7[%dma_wait3A_53] : memref<18048xf32, #tpu.memory_space<vmem>> -> memref<18000xf32, #tpu.memory_space<vmem>>
      %dma_wait3A_55 = arith.constant 0 : i32
      %dma_wait3A_56 = tpu.memref_slice %arg7[%dma_wait3A_55] : memref<18048xf32, #tpu.memory_space<vmem>> -> memref<18000xf32, #tpu.memory_space<vmem>>
      tpu.wait_dma2 semaphore(%run_scoped3A : memref<!tpu.dma_semaphore, #tpu.memory_space<semaphore_mem>>) src(%arg3 : memref<18000xf32, #tpu.memory_space<hbm>>) dst(%dma_wait3A_56 : memref<18000xf32, #tpu.memory_space<vmem>>)
      tpu.yield
    }) : () -> ()
    %dma_start3A = arith.constant 0 : i32
    %dma_start3A_3 = tpu.memref_slice %arg2[%dma_start3A, %mul3A_2] : memref<200x16384xi32, #tpu.memory_space<hbm>> -> memref<200x256xi32, #tpu.memory_space<hbm>>
    %dma_start3A_4 = arith.constant 0 : i32
    %dma_start3A_5 = tpu.memref_slice %arg2[%dma_start3A_4, %mul3A_2] : memref<200x16384xi32, #tpu.memory_space<hbm>> -> memref<200x256xi32, #tpu.memory_space<hbm>>
    tpu.enqueue_dma source(%dma_start3A_5 : memref<200x256xi32, #tpu.memory_space<hbm>>) target(%arg5 : memref<200x256xi32, #tpu.memory_space<vmem>>) target_semaphore(%arg10 : memref<!tpu.dma_semaphore, #tpu.memory_space<semaphore_mem>>)
    %iota3A = tpu.iota {dimensions = array<i32: 0>} : vector<16xi32>
    %mul3A_6 = arith.constant 9 : i32
    %mul3A_7 = vector.broadcast %mul3A_6 : i32 to vector<16xi32>
    %mul3A_8 = arith.muli %iota3A, %mul3A_7 : vector<16xi32>
    %scan3A = arith.constant 0 : i32
    %scan3A_9 = arith.constant 0 : i32
    %scan3A_10 = arith.constant 125 : i32
    %scan3A_11 = arith.addi %scan3A_9, %scan3A_10 : i32
    %scan3A_12 = arith.constant 1 : i32
    %scan3A_13 = scf.for %scan3A_49 = %scan3A_9 to %scan3A_11 step %scan3A_12 iter_args(%scan3A_50 = %scan3A) -> (i32)  : i32 {
      %mul3A_51 = arith.constant 144 : i32
      %mul3A_52 = arith.muli %scan3A_49, %mul3A_51 : i32
      %add3A_53 = vector.broadcast %mul3A_52 : i32 to vector<16xi32>
      %add3A_54 = arith.addi %mul3A_8, %add3A_53 : vector<16xi32>
      %gather3A = tpu.vector_load_idx %arg7[%add3A_54] : memref<18048xf32, #tpu.memory_space<vmem>>[vector<16xi32>], vector<16xf32>,
      %add3A_55 = arith.constant 1 : i32
      %add3A_56 = arith.addi %mul3A_52, %add3A_55 : i32
      %add3A_57 = vector.broadcast %add3A_56 : i32 to vector<16xi32>
      %add3A_58 = arith.addi %mul3A_8, %add3A_57 : vector<16xi32>
      %gather3A_59 = tpu.vector_load_idx %arg7[%add3A_58] : memref<18048xf32, #tpu.memory_space<vmem>>[vector<16xi32>], vector<16xf32>,
      %add3A_60 = arith.addf %gather3A, %gather3A_59 : vector<16xf32>
      %add3A_61 = arith.constant 2 : i32
      %add3A_62 = arith.addi %mul3A_52, %add3A_61 : i32
      %add3A_63 = vector.broadcast %add3A_62 : i32 to vector<16xi32>
      %add3A_64 = arith.addi %mul3A_8, %add3A_63 : vector<16xi32>
      %gather3A_65 = tpu.vector_load_idx %arg7[%add3A_64] : memref<18048xf32, #tpu.memory_space<vmem>>[vector<16xi32>], vector<16xf32>,
      %add3A_66 = arith.addf %add3A_60, %gather3A_65 : vector<16xf32>
      %add3A_67 = arith.constant 3 : i32
      %add3A_68 = arith.addi %mul3A_52, %add3A_67 : i32
      %add3A_69 = vector.broadcast %add3A_68 : i32 to vector<16xi32>
      %add3A_70 = arith.addi %mul3A_8, %add3A_69 : vector<16xi32>
      %gather3A_71 = tpu.vector_load_idx %arg7[%add3A_70] : memref<18048xf32, #tpu.memory_space<vmem>>[vector<16xi32>], vector<16xf32>,
      %add3A_72 = arith.addf %add3A_66, %gather3A_71 : vector<16xf32>
      %add3A_73 = arith.constant 4 : i32
      %add3A_74 = arith.addi %mul3A_52, %add3A_73 : i32
      %add3A_75 = vector.broadcast %add3A_74 : i32 to vector<16xi32>
      %add3A_76 = arith.addi %mul3A_8, %add3A_75 : vector<16xi32>
      %gather3A_77 = tpu.vector_load_idx %arg7[%add3A_76] : memref<18048xf32, #tpu.memory_space<vmem>>[vector<16xi32>], vector<16xf32>,
      %add3A_78 = arith.addf %add3A_72, %gather3A_77 : vector<16xf32>
      %add3A_79 = arith.constant 5 : i32
      %add3A_80 = arith.addi %mul3A_52, %add3A_79 : i32
      %add3A_81 = vector.broadcast %add3A_80 : i32 to vector<16xi32>
      %add3A_82 = arith.addi %mul3A_8, %add3A_81 : vector<16xi32>
      %gather3A_83 = tpu.vector_load_idx %arg7[%add3A_82] : memref<18048xf32, #tpu.memory_space<vmem>>[vector<16xi32>], vector<16xf32>,
      %add3A_84 = arith.addf %add3A_78, %gather3A_83 : vector<16xf32>
      %add3A_85 = arith.constant 6 : i32
      %add3A_86 = arith.addi %mul3A_52, %add3A_85 : i32
      %add3A_87 = vector.broadcast %add3A_86 : i32 to vector<16xi32>
      %add3A_88 = arith.addi %mul3A_8, %add3A_87 : vector<16xi32>
      %gather3A_89 = tpu.vector_load_idx %arg7[%add3A_88] : memref<18048xf32, #tpu.memory_space<vmem>>[vector<16xi32>], vector<16xf32>,
      %add3A_90 = arith.addf %add3A_84, %gather3A_89 : vector<16xf32>
      %add3A_91 = arith.constant 7 : i32
      %add3A_92 = arith.addi %mul3A_52, %add3A_91 : i32
      %add3A_93 = vector.broadcast %add3A_92 : i32 to vector<16xi32>
      %add3A_94 = arith.addi %mul3A_8, %add3A_93 : vector<16xi32>
      %gather3A_95 = tpu.vector_load_idx %arg7[%add3A_94] : memref<18048xf32, #tpu.memory_space<vmem>>[vector<16xi32>], vector<16xf32>,
      %add3A_96 = arith.addf %add3A_90, %gather3A_95 : vector<16xf32>
      %add3A_97 = arith.constant 8 : i32
      %add3A_98 = arith.addi %mul3A_52, %add3A_97 : i32
      %add3A_99 = vector.broadcast %add3A_98 : i32 to vector<16xi32>
      %add3A_100 = arith.addi %mul3A_8, %add3A_99 : vector<16xi32>
      %gather3A_101 = tpu.vector_load_idx %arg7[%add3A_100] : memref<18048xf32, #tpu.memory_space<vmem>>[vector<16xi32>], vector<16xf32>,
      %add3A_102 = arith.addf %add3A_96, %gather3A_101 : vector<16xf32>
      %mul3A_103 = arith.constant 16 : i32
      %mul3A_104 = arith.muli %scan3A_49, %mul3A_103 : i32
      %swap3A_105 = arith.index_cast %mul3A_104 : i32 to index
      %swap3A_106 = tpu.vector_load %arg8[%swap3A_105] {strides = array<i32>} : memref<2048xf32, #tpu.memory_space<vmem>>, vector<16xf32>,
      tpu.vector_store %arg8[%swap3A_105], %add3A_102 {strides = array<i32>} : memref<2048xf32, #tpu.memory_space<vmem>>, vector<16xf32>,
      %scan3A_107 = arith.constant 0 : i32
      scf.yield %scan3A_107 : i32
    }
    %scan3A_14 = arith.constant 125 : i32
    %dma_wait3A = arith.constant 0 : i32
    %dma_wait3A_15 = tpu.memref_slice %arg2[%dma_wait3A, %mul3A_2] : memref<200x16384xi32, #tpu.memory_space<hbm>> -> memref<200x256xi32, #tpu.memory_space<hbm>>
    %dma_wait3A_16 = arith.constant 0 : i32
    %dma_wait3A_17 = tpu.memref_slice %arg2[%dma_wait3A_16, %mul3A_2] : memref<200x16384xi32, #tpu.memory_space<hbm>> -> memref<200x256xi32, #tpu.memory_space<hbm>>
    tpu.wait_dma2 semaphore(%arg10 : memref<!tpu.dma_semaphore, #tpu.memory_space<semaphore_mem>>) src(%dma_wait3A_17 : memref<200x256xi32, #tpu.memory_space<hbm>>) dst(%arg5 : memref<200x256xi32, #tpu.memory_space<vmem>>)
    %add3A_18 = arith.constant 256 : i32
    %add3A_19 = arith.addi %mul3A_2, %add3A_18 : i32
    %dma_start3A_20 = arith.constant 0 : i32
    %dma_start3A_21 = tpu.memref_slice %arg2[%dma_start3A_20, %add3A_19] : memref<200x16384xi32, #tpu.memory_space<hbm>> -> memref<200x256xi32, #tpu.memory_space<hbm>>
    %dma_start3A_22 = arith.constant 0 : i32
    %dma_start3A_23 = tpu.memref_slice %arg2[%dma_start3A_22, %add3A_19] : memref<200x16384xi32, #tpu.memory_space<hbm>> -> memref<200x256xi32, #tpu.memory_space<hbm>>
    tpu.enqueue_dma source(%dma_start3A_23 : memref<200x256xi32, #tpu.memory_space<hbm>>) target(%arg6 : memref<200x256xi32, #tpu.memory_space<vmem>>) target_semaphore(%arg11 : memref<!tpu.dma_semaphore, #tpu.memory_space<semaphore_mem>>)
    %broadcast_in_dim3A = arith.constant 0.000000e+00 : f32
    %broadcast_in_dim3A_24 = vector.broadcast %broadcast_in_dim3A : f32 to vector<16xf32>
    %scan3A_25 = arith.constant 0 : i32
    %scan3A_26 = arith.constant 200 : i32
    %scan3A_27 = arith.addi %scan3A_25, %scan3A_26 : i32
    %scan3A_28 = arith.constant 1 : i32
    %scan3A_29:8 = scf.for %scan3A_49 = %scan3A_25 to %scan3A_27 step %scan3A_28 iter_args(%scan3A_50 = %broadcast_in_dim3A_24, %scan3A_51 = %broadcast_in_dim3A_24, %scan3A_52 = %broadcast_in_dim3A_24, %scan3A_53 = %broadcast_in_dim3A_24, %scan3A_54 = %broadcast_in_dim3A_24, %scan3A_55 = %broadcast_in_dim3A_24, %scan3A_56 = %broadcast_in_dim3A_24, %scan3A_57 = %broadcast_in_dim3A_24) -> (vector<16xf32>, vector<16xf32>, vector<16xf32>, vector<16xf32>, vector<16xf32>, vector<16xf32>, vector<16xf32>, vector<16xf32>)  : i32 {
      %mul3A_58 = arith.constant 1 : i32
      %mul3A_59 = arith.muli %scan3A_49, %mul3A_58 : i32
      %add3A_60 = arith.constant 0 : i32
      %add3A_61 = arith.addi %mul3A_59, %add3A_60 : i32
      %get3A = arith.index_cast %add3A_61 : i32 to index
      %get3A_62 = arith.constant 0 : index
      %get3A_63 = tpu.vector_load %arg5[%get3A, %get3A_62] {strides = array<i32>} : memref<200x256xi32, #tpu.memory_space<vmem>>, vector<16xi32>,
      %gather3A = tpu.vector_load_idx %arg8[%get3A_63] : memref<2048xf32, #tpu.memory_space<vmem>>[vector<16xi32>], vector<16xf32>,
      %add3A_64 = arith.addf %scan3A_50, %gather3A : vector<16xf32>
      %get3A_65 = arith.index_cast %add3A_61 : i32 to index
      %get3A_66 = arith.constant 16 : index
      %get3A_67 = tpu.vector_load %arg5[%get3A_65, %get3A_66] {strides = array<i32>} : memref<200x256xi32, #tpu.memory_space<vmem>>, vector<16xi32>,
      %gather3A_68 = tpu.vector_load_idx %arg8[%get3A_67] : memref<2048xf32, #tpu.memory_space<vmem>>[vector<16xi32>], vector<16xf32>,
      %add3A_69 = arith.addf %scan3A_51, %gather3A_68 : vector<16xf32>
      %get3A_70 = arith.index_cast %add3A_61 : i32 to index
      %get3A_71 = arith.constant 32 : index
      %get3A_72 = tpu.vector_load %arg5[%get3A_70, %get3A_71] {strides = array<i32>} : memref<200x256xi32, #tpu.memory_space<vmem>>, vector<16xi32>,
      %gather3A_73 = tpu.vector_load_idx %arg8[%get3A_72] : memref<2048xf32, #tpu.memory_space<vmem>>[vector<16xi32>], vector<16xf32>,
      %add3A_74 = arith.addf %scan3A_52, %gather3A_73 : vector<16xf32>
      %get3A_75 = arith.index_cast %add3A_61 : i32 to index
      %get3A_76 = arith.constant 48 : index
      %get3A_77 = tpu.vector_load %arg5[%get3A_75, %get3A_76] {strides = array<i32>} : memref<200x256xi32, #tpu.memory_space<vmem>>, vector<16xi32>,
      %gather3A_78 = tpu.vector_load_idx %arg8[%get3A_77] : memref<2048xf32, #tpu.memory_space<vmem>>[vector<16xi32>], vector<16xf32>,
      %add3A_79 = arith.addf %scan3A_53, %gather3A_78 : vector<16xf32>
      %get3A_80 = arith.index_cast %add3A_61 : i32 to index
      %get3A_81 = arith.constant 64 : index
      %get3A_82 = tpu.vector_load %arg5[%get3A_80, %get3A_81] {strides = array<i32>} : memref<200x256xi32, #tpu.memory_space<vmem>>, vector<16xi32>,
      %gather3A_83 = tpu.vector_load_idx %arg8[%get3A_82] : memref<2048xf32, #tpu.memory_space<vmem>>[vector<16xi32>], vector<16xf32>,
      %add3A_84 = arith.addf %scan3A_54, %gather3A_83 : vector<16xf32>
      %get3A_85 = arith.index_cast %add3A_61 : i32 to index
      %get3A_86 = arith.constant 80 : index
      %get3A_87 = tpu.vector_load %arg5[%get3A_85, %get3A_86] {strides = array<i32>} : memref<200x256xi32, #tpu.memory_space<vmem>>, vector<16xi32>,
      %gather3A_88 = tpu.vector_load_idx %arg8[%get3A_87] : memref<2048xf32, #tpu.memory_space<vmem>>[vector<16xi32>], vector<16xf32>,
      %add3A_89 = arith.addf %scan3A_55, %gather3A_88 : vector<16xf32>
      %get3A_90 = arith.index_cast %add3A_61 : i32 to index
      %get3A_91 = arith.constant 96 : index
      %get3A_92 = tpu.vector_load %arg5[%get3A_90, %get3A_91] {strides = array<i32>} : memref<200x256xi32, #tpu.memory_space<vmem>>, vector<16xi32>,
      %gather3A_93 = tpu.vector_load_idx %arg8[%get3A_92] : memref<2048xf32, #tpu.memory_space<vmem>>[vector<16xi32>], vector<16xf32>,
      %add3A_94 = arith.addf %scan3A_56, %gather3A_93 : vector<16xf32>
      %get3A_95 = arith.index_cast %add3A_61 : i32 to index
      %get3A_96 = arith.constant 112 : index
      %get3A_97 = tpu.vector_load %arg5[%get3A_95, %get3A_96] {strides = array<i32>} : memref<200x256xi32, #tpu.memory_space<vmem>>, vector<16xi32>,
      %gather3A_98 = tpu.vector_load_idx %arg8[%get3A_97] : memref<2048xf32, #tpu.memory_space<vmem>>[vector<16xi32>], vector<16xf32>,
      %add3A_99 = arith.addf %scan3A_57, %gather3A_98 : vector<16xf32>
      %get3A_100 = arith.index_cast %add3A_61 : i32 to index
      %get3A_101 = arith.constant 128 : index
      %get3A_102 = tpu.vector_load %arg5[%get3A_100, %get3A_101] {strides = array<i32>} : memref<200x256xi32, #tpu.memory_space<vmem>>, vector<16xi32>,
      %gather3A_103 = tpu.vector_load_idx %arg8[%get3A_102] : memref<2048xf32, #tpu.memory_space<vmem>>[vector<16xi32>], vector<16xf32>,
      %add3A_104 = arith.addf %add3A_64, %gather3A_103 : vector<16xf32>
      %get3A_105 = arith.index_cast %add3A_61 : i32 to index
      %get3A_106 = arith.constant 144 : index
      %get3A_107 = tpu.vector_load %arg5[%get3A_105, %get3A_106] {strides = array<i32>} : memref<200x256xi32, #tpu.memory_space<vmem>>, vector<16xi32>,
      %gather3A_108 = tpu.vector_load_idx %arg8[%get3A_107] : memref<2048xf32, #tpu.memory_space<vmem>>[vector<16xi32>], vector<16xf32>,
      %add3A_109 = arith.addf %add3A_69, %gather3A_108 : vector<16xf32>
      %get3A_110 = arith.index_cast %add3A_61 : i32 to index
      %get3A_111 = arith.constant 160 : index
      %get3A_112 = tpu.vector_load %arg5[%get3A_110, %get3A_111] {strides = array<i32>} : memref<200x256xi32, #tpu.memory_space<vmem>>, vector<16xi32>,
      %gather3A_113 = tpu.vector_load_idx %arg8[%get3A_112] : memref<2048xf32, #tpu.memory_space<vmem>>[vector<16xi32>], vector<16xf32>,
      %add3A_114 = arith.addf %add3A_74, %gather3A_113 : vector<16xf32>
      %get3A_115 = arith.index_cast %add3A_61 : i32 to index
      %get3A_116 = arith.constant 176 : index
      %get3A_117 = tpu.vector_load %arg5[%get3A_115, %get3A_116] {strides = array<i32>} : memref<200x256xi32, #tpu.memory_space<vmem>>, vector<16xi32>,
      %gather3A_118 = tpu.vector_load_idx %arg8[%get3A_117] : memref<2048xf32, #tpu.memory_space<vmem>>[vector<16xi32>], vector<16xf32>,
      %add3A_119 = arith.addf %add3A_79, %gather3A_118 : vector<16xf32>
      %get3A_120 = arith.index_cast %add3A_61 : i32 to index
      %get3A_121 = arith.constant 192 : index
      %get3A_122 = tpu.vector_load %arg5[%get3A_120, %get3A_121] {strides = array<i32>} : memref<200x256xi32, #tpu.memory_space<vmem>>, vector<16xi32>,
      %gather3A_123 = tpu.vector_load_idx %arg8[%get3A_122] : memref<2048xf32, #tpu.memory_space<vmem>>[vector<16xi32>], vector<16xf32>,
      %add3A_124 = arith.addf %add3A_84, %gather3A_123 : vector<16xf32>
      %get3A_125 = arith.index_cast %add3A_61 : i32 to index
      %get3A_126 = arith.constant 208 : index
      %get3A_127 = tpu.vector_load %arg5[%get3A_125, %get3A_126] {strides = array<i32>} : memref<200x256xi32, #tpu.memory_space<vmem>>, vector<16xi32>,
      %gather3A_128 = tpu.vector_load_idx %arg8[%get3A_127] : memref<2048xf32, #tpu.memory_space<vmem>>[vector<16xi32>], vector<16xf32>,
      %add3A_129 = arith.addf %add3A_89, %gather3A_128 : vector<16xf32>
      %get3A_130 = arith.index_cast %add3A_61 : i32 to index
      %get3A_131 = arith.constant 224 : index
      %get3A_132 = tpu.vector_load %arg5[%get3A_130, %get3A_131] {strides = array<i32>} : memref<200x256xi32, #tpu.memory_space<vmem>>, vector<16xi32>,
      %gather3A_133 = tpu.vector_load_idx %arg8[%get3A_132] : memref<2048xf32, #tpu.memory_space<vmem>>[vector<16xi32>], vector<16xf32>,
      %add3A_134 = arith.addf %add3A_94, %gather3A_133 : vector<16xf32>
      %get3A_135 = arith.index_cast %add3A_61 : i32 to index
      %get3A_136 = arith.constant 240 : index
      %get3A_137 = tpu.vector_load %arg5[%get3A_135, %get3A_136] {strides = array<i32>} : memref<200x256xi32, #tpu.memory_space<vmem>>, vector<16xi32>,
      %gather3A_138 = tpu.vector_load_idx %arg8[%get3A_137] : memref<2048xf32, #tpu.memory_space<vmem>>[vector<16xi32>], vector<16xf32>,
      %add3A_139 = arith.addf %add3A_99, %gather3A_138 : vector<16xf32>
      scf.yield %add3A_104, %add3A_109, %add3A_114, %add3A_119, %add3A_124, %add3A_129, %add3A_134, %add3A_139 : vector<16xf32>, vector<16xf32>, vector<16xf32>, vector<16xf32>, vector<16xf32>, vector<16xf32>, vector<16xf32>, vector<16xf32>
    }
    %scan3A_30 = arith.constant 200 : i32
    %dma_wait3A_31 = arith.constant 0 : i32
    %dma_wait3A_32 = tpu.memref_slice %arg2[%dma_wait3A_31, %add3A_19] : memref<200x16384xi32, #tpu.memory_space<hbm>> -> memref<200x256xi32, #tpu.memory_space<hbm>>
    %dma_wait3A_33 = arith.constant 0 : i32
    %dma_wait3A_34 = tpu.memref_slice %arg2[%dma_wait3A_33, %add3A_19] : memref<200x16384xi32, #tpu.memory_space<hbm>> -> memref<200x256xi32, #tpu.memory_space<hbm>>
    tpu.wait_dma2 semaphore(%arg11 : memref<!tpu.dma_semaphore, #tpu.memory_space<semaphore_mem>>) src(%dma_wait3A_34 : memref<200x256xi32, #tpu.memory_space<hbm>>) dst(%arg6 : memref<200x256xi32, #tpu.memory_space<vmem>>)
    %scan3A_35 = arith.constant 0 : i32
    %scan3A_36 = arith.constant 200 : i32
    %scan3A_37 = arith.addi %scan3A_35, %scan3A_36 : i32
    %scan3A_38 = arith.constant 1 : i32
    %scan3A_39:8 = scf.for %scan3A_49 = %scan3A_35 to %scan3A_37 step %scan3A_38 iter_args(%scan3A_50 = %scan3A_29#0, %scan3A_51 = %scan3A_29#1, %scan3A_52 = %scan3A_29#2, %scan3A_53 = %scan3A_29#3, %scan3A_54 = %scan3A_29#4, %scan3A_55 = %scan3A_29#5, %scan3A_56 = %scan3A_29#6, %scan3A_57 = %scan3A_29#7) -> (vector<16xf32>, vector<16xf32>, vector<16xf32>, vector<16xf32>, vector<16xf32>, vector<16xf32>, vector<16xf32>, vector<16xf32>)  : i32 {
      %mul3A_58 = arith.constant 1 : i32
      %mul3A_59 = arith.muli %scan3A_49, %mul3A_58 : i32
      %add3A_60 = arith.constant 0 : i32
      %add3A_61 = arith.addi %mul3A_59, %add3A_60 : i32
      %get3A = arith.index_cast %add3A_61 : i32 to index
      %get3A_62 = arith.constant 0 : index
      %get3A_63 = tpu.vector_load %arg6[%get3A, %get3A_62] {strides = array<i32>} : memref<200x256xi32, #tpu.memory_space<vmem>>, vector<16xi32>,
      %gather3A = tpu.vector_load_idx %arg8[%get3A_63] : memref<2048xf32, #tpu.memory_space<vmem>>[vector<16xi32>], vector<16xf32>,
      %add3A_64 = arith.addf %scan3A_50, %gather3A : vector<16xf32>
      %get3A_65 = arith.index_cast %add3A_61 : i32 to index
      %get3A_66 = arith.constant 16 : index
      %get3A_67 = tpu.vector_load %arg6[%get3A_65, %get3A_66] {strides = array<i32>} : memref<200x256xi32, #tpu.memory_space<vmem>>, vector<16xi32>,
      %gather3A_68 = tpu.vector_load_idx %arg8[%get3A_67] : memref<2048xf32, #tpu.memory_space<vmem>>[vector<16xi32>], vector<16xf32>,
      %add3A_69 = arith.addf %scan3A_51, %gather3A_68 : vector<16xf32>
      %get3A_70 = arith.index_cast %add3A_61 : i32 to index
      %get3A_71 = arith.constant 32 : index
      %get3A_72 = tpu.vector_load %arg6[%get3A_70, %get3A_71] {strides = array<i32>} : memref<200x256xi32, #tpu.memory_space<vmem>>, vector<16xi32>,
      %gather3A_73 = tpu.vector_load_idx %arg8[%get3A_72] : memref<2048xf32, #tpu.memory_space<vmem>>[vector<16xi32>], vector<16xf32>,
      %add3A_74 = arith.addf %scan3A_52, %gather3A_73 : vector<16xf32>
      %get3A_75 = arith.index_cast %add3A_61 : i32 to index
      %get3A_76 = arith.constant 48 : index
      %get3A_77 = tpu.vector_load %arg6[%get3A_75, %get3A_76] {strides = array<i32>} : memref<200x256xi32, #tpu.memory_space<vmem>>, vector<16xi32>,
      %gather3A_78 = tpu.vector_load_idx %arg8[%get3A_77] : memref<2048xf32, #tpu.memory_space<vmem>>[vector<16xi32>], vector<16xf32>,
      %add3A_79 = arith.addf %scan3A_53, %gather3A_78 : vector<16xf32>
      %get3A_80 = arith.index_cast %add3A_61 : i32 to index
      %get3A_81 = arith.constant 64 : index
      %get3A_82 = tpu.vector_load %arg6[%get3A_80, %get3A_81] {strides = array<i32>} : memref<200x256xi32, #tpu.memory_space<vmem>>, vector<16xi32>,
      %gather3A_83 = tpu.vector_load_idx %arg8[%get3A_82] : memref<2048xf32, #tpu.memory_space<vmem>>[vector<16xi32>], vector<16xf32>,
      %add3A_84 = arith.addf %scan3A_54, %gather3A_83 : vector<16xf32>
      %get3A_85 = arith.index_cast %add3A_61 : i32 to index
      %get3A_86 = arith.constant 80 : index
      %get3A_87 = tpu.vector_load %arg6[%get3A_85, %get3A_86] {strides = array<i32>} : memref<200x256xi32, #tpu.memory_space<vmem>>, vector<16xi32>,
      %gather3A_88 = tpu.vector_load_idx %arg8[%get3A_87] : memref<2048xf32, #tpu.memory_space<vmem>>[vector<16xi32>], vector<16xf32>,
      %add3A_89 = arith.addf %scan3A_55, %gather3A_88 : vector<16xf32>
      %get3A_90 = arith.index_cast %add3A_61 : i32 to index
      %get3A_91 = arith.constant 96 : index
      %get3A_92 = tpu.vector_load %arg6[%get3A_90, %get3A_91] {strides = array<i32>} : memref<200x256xi32, #tpu.memory_space<vmem>>, vector<16xi32>,
      %gather3A_93 = tpu.vector_load_idx %arg8[%get3A_92] : memref<2048xf32, #tpu.memory_space<vmem>>[vector<16xi32>], vector<16xf32>,
      %add3A_94 = arith.addf %scan3A_56, %gather3A_93 : vector<16xf32>
      %get3A_95 = arith.index_cast %add3A_61 : i32 to index
      %get3A_96 = arith.constant 112 : index
      %get3A_97 = tpu.vector_load %arg6[%get3A_95, %get3A_96] {strides = array<i32>} : memref<200x256xi32, #tpu.memory_space<vmem>>, vector<16xi32>,
      %gather3A_98 = tpu.vector_load_idx %arg8[%get3A_97] : memref<2048xf32, #tpu.memory_space<vmem>>[vector<16xi32>], vector<16xf32>,
      %add3A_99 = arith.addf %scan3A_57, %gather3A_98 : vector<16xf32>
      %get3A_100 = arith.index_cast %add3A_61 : i32 to index
      %get3A_101 = arith.constant 128 : index
      %get3A_102 = tpu.vector_load %arg6[%get3A_100, %get3A_101] {strides = array<i32>} : memref<200x256xi32, #tpu.memory_space<vmem>>, vector<16xi32>,
      %gather3A_103 = tpu.vector_load_idx %arg8[%get3A_102] : memref<2048xf32, #tpu.memory_space<vmem>>[vector<16xi32>], vector<16xf32>,
      %add3A_104 = arith.addf %add3A_64, %gather3A_103 : vector<16xf32>
      %get3A_105 = arith.index_cast %add3A_61 : i32 to index
      %get3A_106 = arith.constant 144 : index
      %get3A_107 = tpu.vector_load %arg6[%get3A_105, %get3A_106] {strides = array<i32>} : memref<200x256xi32, #tpu.memory_space<vmem>>, vector<16xi32>,
      %gather3A_108 = tpu.vector_load_idx %arg8[%get3A_107] : memref<2048xf32, #tpu.memory_space<vmem>>[vector<16xi32>], vector<16xf32>,
      %add3A_109 = arith.addf %add3A_69, %gather3A_108 : vector<16xf32>
      %get3A_110 = arith.index_cast %add3A_61 : i32 to index
      %get3A_111 = arith.constant 160 : index
      %get3A_112 = tpu.vector_load %arg6[%get3A_110, %get3A_111] {strides = array<i32>} : memref<200x256xi32, #tpu.memory_space<vmem>>, vector<16xi32>,
      %gather3A_113 = tpu.vector_load_idx %arg8[%get3A_112] : memref<2048xf32, #tpu.memory_space<vmem>>[vector<16xi32>], vector<16xf32>,
      %add3A_114 = arith.addf %add3A_74, %gather3A_113 : vector<16xf32>
      %get3A_115 = arith.index_cast %add3A_61 : i32 to index
      %get3A_116 = arith.constant 176 : index
      %get3A_117 = tpu.vector_load %arg6[%get3A_115, %get3A_116] {strides = array<i32>} : memref<200x256xi32, #tpu.memory_space<vmem>>, vector<16xi32>,
      %gather3A_118 = tpu.vector_load_idx %arg8[%get3A_117] : memref<2048xf32, #tpu.memory_space<vmem>>[vector<16xi32>], vector<16xf32>,
      %add3A_119 = arith.addf %add3A_79, %gather3A_118 : vector<16xf32>
      %get3A_120 = arith.index_cast %add3A_61 : i32 to index
      %get3A_121 = arith.constant 192 : index
      %get3A_122 = tpu.vector_load %arg6[%get3A_120, %get3A_121] {strides = array<i32>} : memref<200x256xi32, #tpu.memory_space<vmem>>, vector<16xi32>,
      %gather3A_123 = tpu.vector_load_idx %arg8[%get3A_122] : memref<2048xf32, #tpu.memory_space<vmem>>[vector<16xi32>], vector<16xf32>,
      %add3A_124 = arith.addf %add3A_84, %gather3A_123 : vector<16xf32>
      %get3A_125 = arith.index_cast %add3A_61 : i32 to index
      %get3A_126 = arith.constant 208 : index
      %get3A_127 = tpu.vector_load %arg6[%get3A_125, %get3A_126] {strides = array<i32>} : memref<200x256xi32, #tpu.memory_space<vmem>>, vector<16xi32>,
      %gather3A_128 = tpu.vector_load_idx %arg8[%get3A_127] : memref<2048xf32, #tpu.memory_space<vmem>>[vector<16xi32>], vector<16xf32>,
      %add3A_129 = arith.addf %add3A_89, %gather3A_128 : vector<16xf32>
      %get3A_130 = arith.index_cast %add3A_61 : i32 to index
      %get3A_131 = arith.constant 224 : index
      %get3A_132 = tpu.vector_load %arg6[%get3A_130, %get3A_131] {strides = array<i32>} : memref<200x256xi32, #tpu.memory_space<vmem>>, vector<16xi32>,
      %gather3A_133 = tpu.vector_load_idx %arg8[%get3A_132] : memref<2048xf32, #tpu.memory_space<vmem>>[vector<16xi32>], vector<16xf32>,
      %add3A_134 = arith.addf %add3A_94, %gather3A_133 : vector<16xf32>
      %get3A_135 = arith.index_cast %add3A_61 : i32 to index
      %get3A_136 = arith.constant 240 : index
      %get3A_137 = tpu.vector_load %arg6[%get3A_135, %get3A_136] {strides = array<i32>} : memref<200x256xi32, #tpu.memory_space<vmem>>, vector<16xi32>,
      %gather3A_138 = tpu.vector_load_idx %arg8[%get3A_137] : memref<2048xf32, #tpu.memory_space<vmem>>[vector<16xi32>], vector<16xf32>,
      %add3A_139 = arith.addf %add3A_99, %gather3A_138 : vector<16xf32>
      scf.yield %add3A_104, %add3A_109, %add3A_114, %add3A_119, %add3A_124, %add3A_129, %add3A_134, %add3A_139 : vector<16xf32>, vector<16xf32>, vector<16xf32>, vector<16xf32>, vector<16xf32>, vector<16xf32>, vector<16xf32>, vector<16xf32>
    }
    %scan3A_40 = arith.constant 200 : i32
    %add3A_41 = arith.addf %scan3A_39#0, %scan3A_39#1 : vector<16xf32>
    %add3A_42 = arith.addf %add3A_41, %scan3A_39#2 : vector<16xf32>
    %add3A_43 = arith.addf %add3A_42, %scan3A_39#3 : vector<16xf32>
    %add3A_44 = arith.addf %add3A_43, %scan3A_39#4 : vector<16xf32>
    %add3A_45 = arith.addf %add3A_44, %scan3A_39#5 : vector<16xf32>
    %add3A_46 = arith.addf %add3A_45, %scan3A_39#6 : vector<16xf32>
    %add3A_47 = arith.addf %add3A_46, %scan3A_39#7 : vector<16xf32>
    %swap3A = arith.constant 0 : index
    %swap3A_48 = tpu.vector_load %arg9[%swap3A] {strides = array<i32>} : memref<16xf32, #tpu.memory_space<vmem>>, vector<16xf32>,
    tpu.vector_store %arg9[%swap3A], %add3A_47 {strides = array<i32>} : memref<16xf32, #tpu.memory_space<vmem>>, vector<16xf32>,
    "tpu.region"() ({
      %run_scoped3A = tpu.sem_alloc : memref<!tpu.dma_semaphore, #tpu.memory_space<semaphore_mem>>
      %dma_start3A_49 = arith.constant 0 : i32
      %dma_start3A_50 = tpu.memref_slice %arg4[%add3A, %dma_start3A_49] : memref<32x16xf32, #tpu.memory_space<hbm>> -> memref<1x16xf32, #tpu.memory_space<hbm>>
      %dma_start3A_51 = tpu.memref_squeeze %dma_start3A_50 : memref<1x16xf32, #tpu.memory_space<hbm>> -> memref<16xf32, #tpu.memory_space<hbm>>
      %dma_start3A_52 = arith.constant 0 : i32
      %dma_start3A_53 = tpu.memref_slice %arg4[%add3A, %dma_start3A_52] : memref<32x16xf32, #tpu.memory_space<hbm>> -> memref<1x16xf32, #tpu.memory_space<hbm>>
      %dma_start3A_54 = tpu.memref_squeeze %dma_start3A_53 : memref<1x16xf32, #tpu.memory_space<hbm>> -> memref<16xf32, #tpu.memory_space<hbm>>
      tpu.enqueue_dma source(%arg9 : memref<16xf32, #tpu.memory_space<vmem>>) target(%dma_start3A_54 : memref<16xf32, #tpu.memory_space<hbm>>) target_semaphore(%run_scoped3A : memref<!tpu.dma_semaphore, #tpu.memory_space<semaphore_mem>>)
      %dma_wait3A_55 = arith.constant 0 : i32
      %dma_wait3A_56 = tpu.memref_slice %arg4[%add3A, %dma_wait3A_55] : memref<32x16xf32, #tpu.memory_space<hbm>> -> memref<1x16xf32, #tpu.memory_space<hbm>>
      %dma_wait3A_57 = tpu.memref_squeeze %dma_wait3A_56 : memref<1x16xf32, #tpu.memory_space<hbm>> -> memref<16xf32, #tpu.memory_space<hbm>>
      %dma_wait3A_58 = arith.constant 0 : i32
      %dma_wait3A_59 = tpu.memref_slice %arg4[%add3A, %dma_wait3A_58] : memref<32x16xf32, #tpu.memory_space<hbm>> -> memref<1x16xf32, #tpu.memory_space<hbm>>
      %dma_wait3A_60 = tpu.memref_squeeze %dma_wait3A_59 : memref<1x16xf32, #tpu.memory_space<hbm>> -> memref<16xf32, #tpu.memory_space<hbm>>
      tpu.wait_dma2 semaphore(%run_scoped3A : memref<!tpu.dma_semaphore, #tpu.memory_space<semaphore_mem>>) src(%arg9 : memref<16xf32, #tpu.memory_space<vmem>>) dst(%dma_wait3A_60 : memref<16xf32, #tpu.memory_space<hbm>>)
      tpu.yield
    }) : () -> ()
    return
  }
}

module attributes {stable_mosaic.version = 14 : i64} {
  func.func @body(%arg0: memref<32x16xf32, #tpu.memory_space<vmem>>, %arg1: memref<1x1xf32, #tpu.memory_space<smem>>) attributes {dimension_semantics = [], scalar_prefetch = 0 : i64, scratch_operands = 0 : i64, tpu.core_type = #tpu.core_type<tc>} {
    %get3A = arith.constant 0 : index
    %get3A_0 = arith.constant 0 : index
    %get3A_1 = vector.load %arg0[%get3A, %get3A_0] : memref<32x16xf32, #tpu.memory_space<vmem>>, vector<32x16xf32>
    %reduce_sum3A = vector.shape_cast %get3A_1 : vector<32x16xf32> to vector<1x32x16xf32>
    %reduce_sum3A_2 = arith.constant dense<0.000000e+00> : vector<1xf32>
    %reduce_sum3A_3 = vector.multi_reduction <add>, %reduce_sum3A, %reduce_sum3A_2 [1, 2] : vector<1x32x16xf32> to vector<1xf32>
    %reduce_sum3A_4 = vector.shape_cast %reduce_sum3A_3 : vector<1xf32> to vector<1x1x1xf32>
    %reduce_sum3A_5 = vector.extract %reduce_sum3A_4[0, 0, 0] : f32 from vector<1x1x1xf32>
    %mul3A = arith.constant 3.3908421E-8 : f32
    %mul3A_6 = arith.mulf %reduce_sum3A_5, %mul3A : f32
    %logistic3A = arith.negf %mul3A_6 : f32
    %logistic3A_7 = math.exp %logistic3A : f32
    %logistic3A_8 = arith.constant 1.000000e+00 : f32
    %logistic3A_9 = arith.addf %logistic3A_8, %logistic3A_7 : f32
    %logistic3A_10 = arith.divf %logistic3A_8, %logistic3A_9 : f32
    %swap3A = arith.constant 0 : index
    %swap3A_11 = arith.constant 0 : index
    %swap3A_12 = memref.load %arg1[%swap3A, %swap3A_11] : memref<1x1xf32, #tpu.memory_space<smem>>
    memref.store %logistic3A_10, %arg1[%swap3A, %swap3A_11] : memref<1x1xf32, #tpu.memory_space<smem>>
    return
  }
}

</mosaic_0001>

<sc_bundles>
// kernel: kernel.4.cloned.1.call-start
scs
__scs_entry_jumppad:
0x0: {  	(pc) =	sbr.rel $0x88, $3  }
0x1: {  	(tag) =	ssettag $0x0;
	lr =	simm.s32 $0x1  }
0x2: {  	[smem:$0x3F9F] =	sst lr;
	_ =	strace $0xD0000000  }
0x3: {  	_ = 	snop  }
0x4: {  	_ = 	snop  }
0x5: {  	_ = 	snop  }
0x6: {  	_ = 	snop  }
0x7: {  	_ = 	snop  }
__scs_overlays_trampoline_lowered:
0x8: {  	[smem:$0x3FAE] =	sst s0  }
0x9: {  	[smem:$0x3FAF] =	sst s1  }
0xa: {  	[smem:$0x3FB0] =	sst s2  }
0xb: {  	[smem:$0x3FB1] =	sst s3  }
0xc: {  	[smem:$0x3FB2] =	sst s4  }
0xd: {  	[smem:$0x3FB3] =	sst s5  }
0xe: {  	[smem:$0x3FB4] =	sst s6  }
0xf: {  	[smem:$0x3FB5] =	sst s7  }
0x10: {  	[smem:$0x3FB6] =	sst s8  }
0x11: {  	[smem:$0x3FB7] =	sst s9;
	s0 =	simm.s32 @!p0 $0x0  }
0x12: {  	s1 =	sld [smem:$0x3F9D];
	s0 =	simm.s32 @p0 $0x1  }
0x13: {  	[smem:$0x3FB8] =	sst s0;
	s0 =	simm.s32 @!p1 $0x0  }
0x14: {  	s2 =	sld [smem:$0x3F9C];
	s0 =	simm.s32 @p1 $0x1  }
0x15: {  	[smem:$0x3FB9] =	sst s0;
	s0 =	simm.s32 @!p2 $0x0  }
0x16: {  	s3 =	sld [smem:$0x3FDB];
	s0 =	simm.s32 @p2 $0x1  }
0x17: {  	s4 =	simm.s32 $0x1BF5;
	[smem:$0x3FBB] =	sst s0  }
0x18: {  	s0 =	sld [smem:$0x3F9E];
	_ =	swait.ge [sflag:s4], $0x0  }
0x19: {  	s7 =	sld [smem:$0x3F9F]  }
0x1a: {  	s8 =	sadd.s32 $0xFFFFE003, lr  }
0x1b: {  	s9 =	sadd.s32 $0xFFFFFEF7, lr;
	s5 =	simm.s32 $0xFFFFFFFF;
	p2 =	slt.u32 s8, $0xFFFFF086  }
0x1c: {  	p1 =	slt.u32 s9, $0xF7A;
	s5 =	simm.s32 @!p2 $0x0  }
0x1d: {  	s5 =	simm.s32 @p1 $0x1;
	p0 =	seq.s32 s7, s2  }
0x1e: {  	s7 =	smul.u32 @!p0 $0xF7A, s2;
	p2 =	seq.s32 @!p0 s5, $0x0  }
0x1f: {  	s9 =	smul.u32 $0xF7A, s1;
	s8 =	simm.s32 @!p0 $0x1BF5;
	p2 =	por !p2, p0  }
0x20: {  	[sflag:s8] =	ssyncset.s32 @!p0 $0xFFFFF086;
	s6 =	sadd.s32 @!p0 s3, s7;
	s7 =	simm.s32 @!p0 $0x108  }
0x21: {  	s3 =	sadd.s32 s3, s9;
	s6 =	sadd.s32 @!p0 $0x88, s6;
	s7 =	simm.s32 @p2 $0x1082  }
0x22: {  	[simem:s7], [sflag:s8] =	dma.local @!p0 [hbm:s6], $0xF7A  }
0x23: {  	s9 =	sor.u32 $0xD0000000, s2;
	s6 =	simm.s32 $0x108;
	_ =	swait.ge @!p0 [sflag:s8], $0x0  }
0x24: {  	s3 =	sadd.s32 $0x88, s3;
	s6 =	simm.s32 @!p1 $0x1082;
	[sflag:s4] =	ssyncset.s32 $0xFFFFF086  }
0x25: {  	[simem:s6], [sflag:s4] =	dma.local [hbm:s3], $0xF7A  }
0x26: {  	[smem:$0x3F9F] =	sst s1;
	(tag) =	ssettag s2;
	_ =	strace s9  }
0x27: {  	s1 =	sld [smem:$0x3FAF]  }
0x28: {  	s2 =	sld [smem:$0x3FB0]  }
0x29: {  	s4 =	sld [smem:$0x3FB2]  }
0x2a: {  	p0 =	seq.s32 s5, $0x0;
	s5 =	sld [smem:$0x3FB3]  }
0x2b: {  	s6 =	sld [smem:$0x3FB4]  }
0x2c: {  	s7 =	sld [smem:$0x3FB5]  }
0x2d: {  	s3 =	simm.s32 $0x108;
	s8 =	sld [smem:$0x3FB6]  }
0x2e: {  	s3 =	simm.s32 @!p0 $0x1082;
	s9 =	sld [smem:$0x3FB7]  }
0x2f: {  	lr =	sadd.s32 s0, s3;
	s0 =	sld [smem:$0x3FAE]  }
0x30: {  	s3 =	sld [smem:$0x3FB1]  }
0x31: {  	[smem:$0x3FBA] =	sst s10  }
0x32: {  	s10 =	sld [smem:$0x3FB8];
	_ =	sdelay $0x3  }
0x33: {  	p0 =	seq.s32 s10, $0x1;
	s10 =	sld [smem:$0x3FBA];
	_ =	sdelay $0x3  }
0x34: {  	[smem:$0x3FBA] =	sst s10  }
0x35: {  	s10 =	sld [smem:$0x3FB9];
	_ =	sdelay $0x3  }
0x36: {  	p1 =	seq.s32 s10, $0x1;
	s10 =	sld [smem:$0x3FBA];
	_ =	sdelay $0x3  }
0x37: {  	[smem:$0x3FBA] =	sst s10  }
0x38: {  	s10 =	sld [smem:$0x3FBB]  }
0x39: {  	_ = 	snop;
	(pc) =	sbr.ind lr, $3  }
0x3a: {  	_ = 	snop  }
0x3b: {  	_ = 	snop  }
0x3c: {  	p2 =	seq.s32 s10, $0x1;
	s10 =	sld [smem:$0x3FBA]  }
0x3d: {  	_ =	shalt  }
0x3e: {  	_ =	shalt  }
0x3f: {  	_ =	shalt  }
0x40: {  	_ =	shalt  }
0x41: {  	_ =	shalt  }
0x42: {  	_ =	shalt  }
0x43: {  	_ =	shalt  }
0x44: {  	_ =	shalt  }
0x45: {  	_ =	shalt  }
0x46: {  	_ =	shalt  }
0x47: {  	_ =	shalt  }
0x48: {  	_ =	shalt  }
0x49: {  	_ =	shalt  }
0x4a: {  	_ =	shalt  }
0x4b: {  	_ =	shalt  }
0x4c: {  	_ =	shalt  }
0x4d: {  	_ =	shalt  }
0x4e: {  	_ =	shalt  }
0x4f: {  	_ =	shalt  }
0x50: {  	_ =	shalt  }
0x51: {  	_ =	shalt  }
0x52: {  	_ =	shalt  }
0x53: {  	_ =	shalt  }
0x54: {  	_ =	shalt  }
0x55: {  	_ =	shalt  }
0x56: {  	_ =	shalt  }
0x57: {  	_ =	shalt  }
0x58: {  	_ =	shalt  }
0x59: {  	_ =	shalt  }
0x5a: {  	_ =	shalt  }
0x5b: {  	_ =	shalt  }
0x5c: {  	_ =	shalt  }
0x5d: {  	_ =	shalt  }
0x5e: {  	_ =	shalt  }
0x5f: {  	_ =	shalt  }
0x60: {  	_ =	shalt  }
0x61: {  	_ =	shalt  }
0x62: {  	_ =	shalt  }
0x63: {  	_ =	shalt  }
0x64: {  	_ =	shalt  }
0x65: {  	_ =	shalt  }
0x66: {  	_ =	shalt  }
0x67: {  	_ =	shalt  }
0x68: {  	_ =	shalt  }
0x69: {  	_ =	shalt  }
0x6a: {  	_ =	shalt  }
0x6b: {  	_ =	shalt  }
0x6c: {  	_ =	shalt  }
0x6d: {  	_ =	shalt  }
0x6e: {  	_ =	shalt  }
0x6f: {  	_ =	shalt  }
0x70: {  	_ =	shalt  }
0x71: {  	_ =	shalt  }
0x72: {  	_ =	shalt  }
0x73: {  	_ =	shalt  }
0x74: {  	_ =	shalt  }
0x75: {  	_ =	shalt  }
0x76: {  	_ =	shalt  }
0x77: {  	_ =	shalt  }
0x78: {  	_ =	shalt  }
0x79: {  	_ =	shalt  }
0x7a: {  	_ =	shalt  }
0x7b: {  	_ =	shalt  }
0x7c: {  	_ =	shalt  }
0x7d: {  	_ =	shalt  }
0x7e: {  	_ =	shalt  }
0x7f: {  	_ =	shalt  }
0x80: {  	_ =	shalt  }
0x81: {  	_ =	shalt  }
0x82: {  	_ =	shalt  }
0x83: {  	_ =	shalt  }
0x84: {  	_ =	shalt  }
0x85: {  	_ =	shalt  }
0x86: {  	_ =	shalt  }
0x87: {  	_ =	shalt  }
.Lfunc_end0:
.L_simem_size_0:
called_computation_lowered:
.L_overlay_start_0:
0x88: {  	s2 =	sld [smem:$0x3FD9]  }
0x89: {  	s3 =	sld [smem:$0x3FFE];
	_ =	sdelay $0x1  }
0x8a: {  	s1 =	srdreg.scid  }
0x8b: {  	s0 =	sand.u32 $0x1, s1  }
0x8c: {  	s17 =	sshll.u32 s0, $0xA;
	s2 =	sadd.s32 s3, s2  }
0x8d: {  	s2 =	sadd.s32 s2, s17  }
0x8e: {  	[smem:$0x3FC6] =	sst s2  }
0x8f: {  	_ = 	snop  }
0x90: {  	s2 =	sld [smem:$0x3FC9];
	(tm) =	ssettm $0x1  }
0x91: {  	s18 =	sld [smem:$0x3FFB];
	_ =	sdelay $0x3  }
0x92: {  	_ =	strace s18  }
0x93: {  	s3 =	sld [smem:$0x3FFC];
	_ =	sdelay $0x3  }
0x94: {  	_ =	strace s3  }
0x95: {  	s3 =	sld [smem:$0x3FFD];
	_ =	sdelay $0x3  }
0x96: {  	_ =	strace s3  }
0x97: {  	_ =	strace $0x8FFFFFFF  }
0x98: {  	s19 =	sld [smem:$0x3FDB];
	_ =	sdelay $0x1  }
0x99: {  	s4 =	simm.s32 $_scs_section_size  }
0x9a: {  	s5 =	simm.s32 $_size__tile_overlayer_lowered;
	s6 =	simm.s32 $_tile_overlayer_lowered  }
0x9b: {  	s22 =	simm.s32 $0x1BFF;
	s21 =	sshll.u32 s6, $0x1;
	s3 =	sadd.s32 s4, s19  }
0x9c: {  	s7 =	simm.s32 $0x0;
	s20 =	sshll.u32 s5, $0x1;
	s5 =	sadd.s32 s21, s3  }
0x9d: {  	[timem:s7], [sflag:s22] =	dma.local [hbm:s5], s20  }
0x9e: {  	_ =	swait.ge [sflag:s22], s20  }
0x9f: {  	s4 =	ssub.s32 $0x0, s20;
	[sflag:s22] =	ssyncset.done $0x0  }
0xa0: {  	[sflag:s22] =	ssyncadd.s32 s4;
	_ =	sdelay $0x1  }
0xa1: {  	s23 =	simm.s32 $0x1B8B  }
0xa2: {  	_ =	swait.ge [sflag:s23], $0x1  }
0xa3: {  	[sflag:s23] =	ssyncset.done $0x0  }
0xa4: {  	s25 =	simm.s32 $0x1B8E;
	s24 =	sld [smem:$0x3FFE];
	[sflag:s23] =	ssyncadd.s32 $0xFFFFFFFF  }
0xa5: {  	s26 =	simm.s32 $execute0_lowered;
	[smem:$0x3FD2] =	sst s25  }
0xa6: {  	s5 =	sshll.u32 s26, $0x1;
	_ =	strace $0x80000046;
	[dreg:$0x1] =	wrdreg $0xFFFFFFFF  }
0xa7: {  	s28 =	simm.s32 $_size_execute0_lowered;
	s3 =	sadd.s32 s3, s5;
	[dreg:$0x0] =	wrdreg $0x0  }
0xa8: {  	s5 =	sshll.u32 s28, $0x1;
	[dreg:$0x2] =	wrdreg s3  }
0xa9: {  	[dreg:$0x3] =	wrdreg s5  }
0xaa: {  	[dreg:$0x4] =	wrdreg $0xC0  }
0xab: {  	_ =	task [dreg:s7], $0x5FFFF  }
0xac: {  	[dreg:$0x1] =	wrdreg $0xFFFFFFFF  }
0xad: {  	[dreg:$0x0] =	wrdreg $0x60  }
0xae: {  	[dreg:$0x2] =	wrdreg s2  }
0xaf: {  	[dreg:$0x3] =	wrdreg s24  }
0xb0: {  	[dreg:$0x4] =	wrdreg $0x9  }
0xb1: {  	_ =	task.clear_ibuf [dreg:s7], $0x5FFFF;
	_ =	strace $0x90000046  }
0xb2: {  	s29 =	simm.s32 $0x9;
	_ =	strace $0x80000048  }
0xb3: {  	_ =	swait.ge [sflag:s29], $0x1  }
0xb4: {  	[sflag:s29] =	ssyncadd.s32 $0xFFFFFFFF  }
0xb5: {  	_ =	strace $0x90000048  }
0xb6: {  	_ =	sfence  }
0xb7: {  	s30 =	sld [smem:$0x0];
	_ =	sdelay $0x2  }
0xb8: {  	s31 =	sshll.u32 s1, $0xD;
	s1 =	sshrl.u32 s1, $0x2  }
0xb9: {  	s3 =	sand.u32 $0x4000, s31;
	s1 =	sadd.s32 s1, s30  }
0xba: {  	s0 =	sor.u32 s3, s0;
	s1 =	sshll.u32 s1, $0x11  }
0xbb: {  	s0 =	sor.u32 s1, s0  }
0xbc: {  	s0 =	sadd.s32 $0x8F2B, s0  }
0xbd: {  	[sflag:s0] =	ssyncadd.remote.s32 $0x1  }
0xbe: {  	_ =	sfence.sel $0xFFFF  }
0xbf: {  	[dreg:$0x0] =	wrdreg $0xFFFFFFFF;
	(pc) =	sbr.abs _section_cstart, $3  }
0xc0: {  	[dreg:$0x1] =	wrdreg $0xFFFFFFFF  }
0xc1: {  	_ =	task.clear_ibuf [dreg:s7], $0x2FFFF;
	_ =	strace $0x9FFFFFFF  }
0xc2: {  	(tm) =	ssettm $0x7FFFFFFF  }
0xc3: {  	_ =	shalt  }
tec
execute0_lowered:
.L_overlay_start_1:
0x0: {  	(tag) =	ssettag $0x1  }
0x1: {  	s4 =	rddreg [dreg:$0x0]  }
0x2: {  	s5 =	rddreg [dreg:$0x1]  }
0x3: {  	s0 =	rddreg [dreg:$0x2];
	s2 =	simm.s32 $0x0;
	s3 =	srdreg.scid  }
0x4: {  	s1 =	stileid.u32;
	s10 =	simm.s32 $0x800;
	s11 =	simm.s32 $0x20000  }
0x5: {  	s12 =	simm.s32 $0x1;
	s13 =	simm.s32 $0xC800;
	s14 =	simm.s32 $0x1D680  }
0x6: {  	s15 =	simm.s32 $0x2;
	s16 =	simm.s32 $0x1DE80;
	s17 =	simm.s32 $0x0  }
0x7: {  	[smem:$0x7FF] =	sst s2;
	s6 =	sand.u32 $0x1, s3;
	s30 =	sshll.u32 s1, $0x1  }
0x8: {  	s3 =	sadd.s32 $0x600, s5;
	_ =	strace $0x80000047;
	s7 =	sor.u32 s6, s30  }
0x9: {  	s6 =	ssub.s32 $0x2, s6;
	s8 =	sshll.u32 s7, $0x9;
	s7 =	sshll.u32 s7, $0x4  }
0xa: {  	v0 =	vlaneseq.u32;
	s9 =	sshrl.u32 s6, $0x1;
	s4 =	sadd.s32 s4, s8;
	s7 =	sadd.s32 s7, s5  }
0xb: {  	v0 =	vmul.u32 $0x9, v0;
	s31 =	ssub.s32 s6, s9;
	s8 =	simm.s32 $0x19000;
	s9 =	simm.s32 $0x3  }
0xc: {  	s5 =	sadd.s32 $0x100, s4;
	s6 =	sadd.s32 $0x1000, s7;
	s7 =	smax.u32 s31, $0x1  }
.LBB2_1:
0xd: {  	[tilespmem:s8], [sflag:$0x3] =	stream.linear.gather [hbm4b:s3+s2], $0x4650, $0x38;
	[tilespmem:$0x1DF00] =	vst v63  }
0xe: {  	s18 =	simm.s32 $0x1  }
0xf: {  	s19 =	simm.s32 $0x0;
	v1 =	vadd.s32 s18, v0  }
0x10: {  	_ =	swait.ge [sflag:s9], $0x4650;
	v2 =	vadd.s32 s19, v0  }
0x11: {  	s26 =	simm.s32 $0x2;
	[sflag:s9] =	ssyncset.done $0x0  }
0x12: {  	s28 =	simm.s32 $0x3;
	v3 =	vadd.s32 s26, v0;
	[sflag:s9] =	ssyncadd.s32 $0xFFFFB9B0  }
0x13: {  	[tilespmem:s2], [sflag:$0x1] =	stream.strided.gather [hbm4b:s4+s10], $0xC800, s11, s10, $0x38;
	[tilespmem:$0x1DF00] =	vst v63  }
0x14: {  	v4 =	vadd.s32 s28, v0;
	v1 =	vld.idx.msk [tilespmem:v1+s8+$0x0], $0xffff  }
0x15: {  	s29 =	simm.s32 $0x4;
	v2 =	vld.idx.msk [tilespmem:v2+s8+$0x0], $0xffff  }
0x16: {  	v5 =	vadd.s32 s29, v0  }
0x17: {  	s30 =	simm.s32 $0x5;
	v3 =	vld.idx.msk [tilespmem:v3+s8+$0x0], $0xffff  }
0x18: {  	v6 =	vadd.s32 s30, v0  }
0x19: {  	s31 =	simm.s32 $0x6;
	v4 =	vld.idx.msk [tilespmem:v4+s8+$0x0], $0xffff  }
0x1a: {  	v7 =	vadd.s32 s31, v0;
	v1 =	vadd.f32 v1, v2  }
0x1b: {  	s19 =	simm.s32 $0x7;
	v2 =	vld.idx.msk [tilespmem:v5+s8+$0x0], $0xffff  }
0x1c: {  	v5 =	vadd.s32 s19, v0;
	v1 =	vadd.f32 v3, v1  }
0x1d: {  	s20 =	simm.s32 $0x8;
	v3 =	vld.idx.msk [tilespmem:v6+s8+$0x0], $0xffff  }
0x1e: {  	v61 =	vadd.s32 s20, v0;
	v1 =	vadd.f32 v4, v1  }
0x1f: {  	v4 =	vld.idx.msk [tilespmem:v7+s8+$0x0], $0xffff  }
0x20: {  	v1 =	vadd.f32 v2, v1  }
0x21: {  	v2 =	vld.idx.msk [tilespmem:v5+s8+$0x0], $0xffff  }
0x22: {  	v1 =	vadd.f32 v3, v1  }
0x23: {  	v3 =	vld.idx.msk [tilespmem:v61+s8+$0x0], $0xffff  }
0x24: {  	v1 =	vadd.f32 v4, v1  }
0x25: {  	s21 =	simm.s32 $0x91  }
0x26: {  	s22 =	simm.s32 $0x90;
	v4 =	vadd.s32 s21, v0;
	v1 =	vadd.f32 v2, v1  }
0x27: {  	v2 =	vadd.s32 s22, v0  }
0x28: {  	s23 =	simm.s32 $0x92;
	v1 =	vadd.f32 v3, v1  }
0x29: {  	v3 =	vadd.s32 s23, v0  }
0x2a: {  	s24 =	simm.s32 $0x93;
	[tilespmem:s14+$0x0] =	vst v1  }
0x2b: {  	v1 =	vld.idx.msk [tilespmem:v4+s8+$0x0], $0xffff;
	v4 =	vadd.s32 s24, v0  }
0x2c: {  	s25 =	simm.s32 $0x94;
	v2 =	vld.idx.msk [tilespmem:v2+s8+$0x0], $0xffff  }
0x2d: {  	v5 =	vadd.s32 s25, v0  }
0x2e: {  	v3 =	vld.idx.msk [tilespmem:v3+s8+$0x0], $0xffff;
	_ =	sdelay $0x1  }
0x2f: {  	s26 =	simm.s32 $0x95;
	v4 =	vld.idx.msk [tilespmem:v4+s8+$0x0], $0xffff  }
0x30: {  	v62 =	vadd.s32 s26, v0;
	v1 =	vadd.f32 v1, v2  }
0x31: {  	s28 =	simm.s32 $0x96;
	v2 =	vld.idx.msk [tilespmem:v5+s8+$0x0], $0xffff  }
0x32: {  	v63 =	vadd.s32 s28, v0;
	v1 =	vadd.f32 v3, v1  }
0x33: {  	s29 =	simm.s32 $0x97  }
0x34: {  	v5 =	vadd.s32 s29, v0;
	v1 =	vadd.f32 v4, v1  }
0x35: {  	s30 =	simm.s32 $0x98;
	v3 =	vld.idx.msk [tilespmem:v62+s8+$0x0], $0xffff  }
0x36: {  	v1 =	vadd.f32 v2, v1;
	v2 =	vadd.s32 s30, v0  }
0x37: {  	v4 =	vld.idx.msk [tilespmem:v63+s8+$0x0], $0xffff;
	_ =	sdelay $0x1  }
0x38: {  	v5 =	vld.idx.msk [tilespmem:v5+s8+$0x0], $0xffff  }
0x39: {  	v1 =	vadd.f32 v3, v1  }
0x3a: {  	v2 =	vld.idx.msk [tilespmem:v2+s8+$0x0], $0xffff  }
0x3b: {  	v3 =	vadd.f32 v4, v1  }
0x3c: {  	s18 =	simm.s32 $0x128;
	s31 =	simm.s32 $0x121  }
0x3d: {  	s20 =	simm.s32 $0x1B8;
	s19 =	simm.s32 $0x1D680;
	s21 =	simm.s32 $0x120;
	v1 =	vadd.s32 s31, v0;
	v3 =	vadd.f32 v5, v3  }
.LBB2_2:
0x3e: {  	p0 =	sne.s32 s20, $0x45C8;
	v4 =	vadd.s32 s21, v0  }
0x3f: {  	s21 =	sadd.s32 $0xFFFFFFFA, s18;
	v2 =	vadd.f32 v2, v3  }
0x40: {  	s19 =	sadd.s32 $0x10, s19;
	v3 =	vadd.s32 s21, v0  }
0x41: {  	s21 =	sadd.s32 $0xFFFFFFFB, s18;
	[tilespmem:s19+$0x0] =	vst v2  }
0x42: {  	v2 =	vadd.s32 s21, v0;
	v1 =	vld.idx.msk [tilespmem:v1+s8+$0x0], $0xffff  }
0x43: {  	s21 =	sadd.s32 $0xFFFFFFFC, s18;
	v4 =	vld.idx.msk [tilespmem:v4+s8+$0x0], $0xffff  }
0x44: {  	v5 =	vadd.s32 s21, v0  }
0x45: {  	s21 =	sadd.s32 $0xFFFFFFFD, s18;
	v3 =	vld.idx.msk [tilespmem:v3+s8+$0x0], $0xffff  }
0x46: {  	v6 =	vadd.s32 s21, v0  }
0x47: {  	s21 =	sadd.s32 $0xFFFFFFFE, s18;
	v2 =	vld.idx.msk [tilespmem:v2+s8+$0x0], $0xffff  }
0x48: {  	v7 =	vadd.s32 s21, v0  }
0x49: {  	s21 =	sadd.s32 $0xFFFFFFFF, s18;
	v1 =	vadd.f32 v1, v4;
	v4 =	vld.idx.msk [tilespmem:v5+s8+$0x0], $0xffff  }
0x4a: {  	v5 =	vadd.s32 s21, v0  }
0x4b: {  	v1 =	vadd.f32 v3, v1;
	v3 =	vld.idx.msk [tilespmem:v6+s8+$0x0], $0xffff  }
0x4c: {  	v6 =	vadd.s32 s18, v0;
	s18 =	smov.u32 s20  }
0x4d: {  	v1 =	vadd.f32 v2, v1;
	v7 =	vld.idx.msk [tilespmem:v7+s8+$0x0], $0xffff;
	_ =	sdelay $0x1  }
0x4e: {  	v1 =	vadd.f32 v4, v1;
	v4 =	vld.idx.msk [tilespmem:v5+s8+$0x0], $0xffff;
	_ =	sdelay $0x1  }
.Ltmp0:
0x4f: {  	v1 =	vadd.f32 v3, v1;
	v2 =	vld.idx.msk [tilespmem:v6+s8+$0x0], $0xffff;
	(pc) =	sbr.rel @p0 .LBB2_2-.Ltmp0, $4  }
0x50: {  	_ = 	snop  }
0x51: {  	v3 =	vadd.f32 v7, v1  }
0x52: {  	s22 =	sadd.s32 $0xFFFFFFF9, s20  }
0x53: {  	s20 =	sadd.s32 $0x90, s20;
	s21 =	sadd.s32 $0xFFFFFFF8, s18;
	v1 =	vadd.s32 s22, v0;
	v3 =	vadd.f32 v4, v3  }
0x54: {  	v4 =	vadd.s32 s21, v0  }
0x55: {  	s20 =	sadd.s32 $0xFFFFFFFA, s18;
	v2 =	vadd.f32 v2, v3  }
0x56: {  	s19 =	sadd.s32 $0x10, s19;
	v3 =	vadd.s32 s20, v0  }
0x57: {  	s23 =	sadd.s32 $0xFFFFFFFB, s18;
	[tilespmem:s19+$0x0] =	vst v2  }
0x58: {  	v2 =	vadd.s32 s23, v0;
	v1 =	vld.idx.msk [tilespmem:v1+s8+$0x0], $0xffff  }
0x59: {  	s24 =	sadd.s32 $0xFFFFFFFC, s18;
	v4 =	vld.idx.msk [tilespmem:v4+s8+$0x0], $0xffff  }
0x5a: {  	v5 =	vadd.s32 s24, v0  }
0x5b: {  	s25 =	sadd.s32 $0xFFFFFFFD, s18;
	v3 =	vld.idx.msk [tilespmem:v3+s8+$0x0], $0xffff  }
0x5c: {  	v6 =	vadd.s32 s25, v0  }
0x5d: {  	s26 =	sadd.s32 $0xFFFFFFFE, s18;
	v2 =	vld.idx.msk [tilespmem:v2+s8+$0x0], $0xffff  }
0x5e: {  	v7 =	vadd.s32 s26, v0;
	v1 =	vadd.f32 v1, v4  }
0x5f: {  	s28 =	sadd.s32 $0xFFFFFFFF, s18;
	v4 =	vld.idx.msk [tilespmem:v5+s8+$0x0], $0xffff  }
0x60: {  	v5 =	vadd.s32 s28, v0;
	v1 =	vadd.f32 v3, v1  }
0x61: {  	v3 =	vld.idx.msk [tilespmem:v6+s8+$0x0], $0xffff  }
0x62: {  	v6 =	vadd.s32 s18, v0;
	v1 =	vadd.f32 v2, v1  }
0x63: {  	v2 =	vld.idx.msk [tilespmem:v7+s8+$0x0], $0xffff  }
0x64: {  	v1 =	vadd.f32 v4, v1  }
0x65: {  	v4 =	vld.idx.msk [tilespmem:v5+s8+$0x0], $0xffff  }
0x66: {  	v1 =	vadd.f32 v3, v1  }
0x67: {  	v3 =	vld.idx.msk [tilespmem:v6+s8+$0x0], $0xffff  }
0x68: {  	v1 =	vadd.f32 v2, v1;
	_ =	sdelay $0x1  }
0x69: {  	v1 =	vadd.f32 v4, v1;
	_ =	sdelay $0x1  }
0x6a: {  	v1 =	vadd.f32 v3, v1  }
0x6b: {  	s29 =	sadd.s32 $0x10, s19  }
0x6c: {  	[tilespmem:s29+$0x0] =	vst v1  }
0x6d: {  	s18 =	simm.s32 $0x0;
	_ =	swait.ge [sflag:s12], $0xC800  }
0x6e: {  	s30 =	sand.u32 $0xF800, s18;
	s31 =	sand.u32 $0x380, s18;
	[sflag:s12] =	ssyncset.done $0x0  }
0x6f: {  	s19 =	sor.u32 s31, s30;
	[sflag:s12] =	ssyncadd.s32 $0xFFFF3800  }
0x70: {  	[tilespmem:s13], [sflag:$0x2] =	stream.strided.gather [hbm4b:s5+s10], $0xC800, s11, s10, $0x38;
	[tilespmem:$0x1DF00] =	vst v63  }
0x71: {  	v1 =	vld [tilespmem:s19+$0x400]  }
0x72: {  	v2 =	vld [tilespmem:s19+$0x410]  }
0x73: {  	v3 =	vld [tilespmem:s19+$0x420]  }
0x74: {  	v4 =	vld [tilespmem:s19+$0x430]  }
0x75: {  	v15 =	vld [tilespmem:s19+$0x440]  }
0x76: {  	v16 =	vld [tilespmem:s19+$0x450]  }
0x77: {  	v10 =	vld [tilespmem:s19+$0x460]  }
0x78: {  	v9 =	vld [tilespmem:s19+$0x470]  }
0x79: {  	v17 =	vld [tilespmem:s19+$0x0]  }
0x7a: {  	v18 =	vld [tilespmem:s19+$0x10]  }
0x7b: {  	v19 =	vld [tilespmem:s19+$0x20]  }
0x7c: {  	v20 =	vld [tilespmem:s19+$0x30]  }
0x7d: {  	v21 =	vld [tilespmem:s19+$0x40]  }
0x7e: {  	v22 =	vld [tilespmem:s19+$0x50]  }
0x7f: {  	v23 =	vld [tilespmem:s19+$0x60]  }
0x80: {  	v24 =	vld [tilespmem:s19+$0x70]  }
0x81: {  	v11 =	vld.idx.msk [tilespmem:v1+s14+$0x0], $0xffff  }
0x82: {  	v8 =	vimm.f32 $0.0e+00;
	v7 =	vimm.f32 $0.0e+00;
	v13 =	vld.idx.msk [tilespmem:v2+s14+$0x0], $0xffff  }
0x83: {  	v5 =	vimm.f32 $0.0e+00;
	v6 =	vimm.f32 $0.0e+00;
	v12 =	vld.idx.msk [tilespmem:v3+s14+$0x0], $0xffff;
	v1 =	vimm.f32 $0.0e+00  }
0x84: {  	s19 =	simm.s32 $0x100;
	v14 =	vld.idx.msk [tilespmem:v4+s14+$0x0], $0xffff;
	v4 =	vimm.f32 $0.0e+00;
	v2 =	vimm.f32 $0.0e+00;
	v3 =	vimm.f32 $0.0e+00  }
.LBB2_4:
0x85: {  	p0 =	sne.s32 s19, $0xC700;
	v25 =	vld.idx.msk [tilespmem:v15+s14+$0x0], $0xffff  }
0x86: {  	v16 =	vld.idx.msk [tilespmem:v16+s14+$0x0], $0xffff  }
0x87: {  	v15 =	vld.idx.msk [tilespmem:v17+s14+$0x0], $0xffff  }
0x88: {  	v17 =	vld.idx.msk [tilespmem:v18+s14+$0x0], $0xffff  }
0x89: {  	v18 =	vld.idx.msk [tilespmem:v19+s14+$0x0], $0xffff  }
0x8a: {  	v19 =	vld.idx.msk [tilespmem:v20+s14+$0x0], $0xffff  }
0x8b: {  	v20 =	vld.idx.msk [tilespmem:v21+s14+$0x0], $0xffff  }
0x8c: {  	v21 =	vld.idx.msk [tilespmem:v22+s14+$0x0], $0xffff  }
0x8d: {  	v22 =	vld.idx.msk [tilespmem:v23+s14+$0x0], $0xffff  }
0x8e: {  	s18 =	sadd.s32 $0x80, s18;
	v23 =	vld.idx.msk [tilespmem:v24+s14+$0x0], $0xffff  }
0x8f: {  	s20 =	sand.u32 $0xF800, s19;
	s21 =	sand.u32 $0x380, s18;
	v5 =	vadd.f32 v15, v5;
	v8 =	vadd.f32 v17, v8;
	v10 =	vld.idx.msk [tilespmem:v10+s14+$0x0], $0xffff  }
0x90: {  	s20 =	sor.u32 s21, s20;
	v6 =	vadd.f32 v18, v6;
	v7 =	vadd.f32 v19, v7;
	v9 =	vld.idx.msk [tilespmem:v9+s14+$0x0], $0xffff  }
0x91: {  	v5 =	vadd.f32 v11, v5;
	v8 =	vadd.f32 v13, v8;
	v26 =	vld [tilespmem:s20+$0x400]  }
0x92: {  	v6 =	vadd.f32 v12, v6;
	v7 =	vadd.f32 v14, v7;
	v13 =	vld [tilespmem:s20+$0x410]  }
0x93: {  	v1 =	vadd.f32 v20, v1;
	v4 =	vadd.f32 v21, v4;
	v12 =	vld [tilespmem:s20+$0x420]  }
0x94: {  	v2 =	vadd.f32 v22, v2;
	v3 =	vadd.f32 v23, v3;
	v14 =	vld [tilespmem:s20+$0x430]  }
0x95: {  	v1 =	vadd.f32 v25, v1;
	v4 =	vadd.f32 v16, v4;
	v15 =	vld [tilespmem:s20+$0x440]  }
0x96: {  	v2 =	vadd.f32 v10, v2;
	v3 =	vadd.f32 v9, v3;
	v16 =	vld [tilespmem:s20+$0x450]  }
0x97: {  	v10 =	vld [tilespmem:s20+$0x460]  }
0x98: {  	v9 =	vld [tilespmem:s20+$0x470]  }
0x99: {  	v17 =	vld [tilespmem:s20+$0x0]  }
0x9a: {  	v18 =	vld [tilespmem:s20+$0x10]  }
0x9b: {  	v19 =	vld [tilespmem:s20+$0x20]  }
0x9c: {  	v20 =	vld [tilespmem:s20+$0x30]  }
0x9d: {  	v21 =	vld [tilespmem:s20+$0x40]  }
0x9e: {  	v22 =	vld [tilespmem:s20+$0x50]  }
0x9f: {  	v23 =	vld [tilespmem:s20+$0x60]  }
.Ltmp1:
0xa0: {  	v24 =	vld [tilespmem:s20+$0x70];
	(pc) =	sbr.rel @p0 .LBB2_4-.Ltmp1, $4  }
0xa1: {  	v11 =	vld.idx.msk [tilespmem:v26+s14+$0x0], $0xffff  }
0xa2: {  	v13 =	vld.idx.msk [tilespmem:v13+s14+$0x0], $0xffff  }
0xa3: {  	v12 =	vld.idx.msk [tilespmem:v12+s14+$0x0], $0xffff  }
0xa4: {  	s19 =	sadd.s32 $0x100, s19;
	v14 =	vld.idx.msk [tilespmem:v14+s14+$0x0], $0xffff  }
0xa5: {  	_ =	sdelay $0x3  }
0xa6: {  	v25 =	vld.idx.msk [tilespmem:v15+s14+$0x0], $0xffff  }
0xa7: {  	v26 =	vld.idx.msk [tilespmem:v16+s14+$0x0], $0xffff  }
0xa8: {  	v17 =	vld.idx.msk [tilespmem:v17+s14+$0x0], $0xffff  }
0xa9: {  	v18 =	vld.idx.msk [tilespmem:v18+s14+$0x0], $0xffff  }
0xaa: {  	v27 =	vld.idx.msk [tilespmem:v19+s14+$0x0], $0xffff  }
0xab: {  	v28 =	vld.idx.msk [tilespmem:v20+s14+$0x0], $0xffff  }
0xac: {  	v29 =	vld.idx.msk [tilespmem:v21+s14+$0x0], $0xffff  }
0xad: {  	v30 =	vld.idx.msk [tilespmem:v22+s14+$0x0], $0xffff  }
0xae: {  	v31 =	vld.idx.msk [tilespmem:v23+s14+$0x0], $0xffff  }
0xaf: {  	v32 =	vld.idx.msk [tilespmem:v24+s14+$0x0], $0xffff  }
0xb0: {  	v33 =	vld.idx.msk [tilespmem:v10+s14+$0x0], $0xffff  }
0xb1: {  	v34 =	vld.idx.msk [tilespmem:v9+s14+$0x0], $0xffff;
	_ =	swait.ge [sflag:s15], $0xC800;
	s18 =	simm.s32 $0x0  }
0xb2: {  	[sflag:s15] =	ssyncset.done $0x0;
	s19 =	sand.u32 $0xF800, s18;
	s20 =	sand.u32 $0x380, s18  }
0xb3: {  	[sflag:s15] =	ssyncadd.s32 $0xFFFF3800;
	s19 =	sor.u32 s20, s19  }
0xb4: {  	v35 =	vld [tilespmem:s19+$0xCC00]  }
0xb5: {  	v36 =	vld [tilespmem:s19+$0xCC10]  }
0xb6: {  	v37 =	vld [tilespmem:s19+$0xCC20]  }
0xb7: {  	v38 =	vld [tilespmem:s19+$0xCC30]  }
0xb8: {  	v16 =	vld [tilespmem:s19+$0xCC40]  }
0xb9: {  	v15 =	vld [tilespmem:s19+$0xCC50]  }
0xba: {  	v10 =	vld [tilespmem:s19+$0xCC60]  }
0xbb: {  	v9 =	vld [tilespmem:s19+$0xCC70]  }
0xbc: {  	v19 =	vld [tilespmem:s19+$0xC800]  }
0xbd: {  	v20 =	vld [tilespmem:s19+$0xC810]  }
0xbe: {  	v21 =	vld [tilespmem:s19+$0xC820]  }
0xbf: {  	v22 =	vld [tilespmem:s19+$0xC830]  }
0xc0: {  	v23 =	vld [tilespmem:s19+$0xC840];
	v5 =	vadd.f32 v17, v5;
	v8 =	vadd.f32 v18, v8  }
0xc1: {  	v24 =	vld [tilespmem:s19+$0xC850];
	v6 =	vadd.f32 v27, v6;
	v18 =	vadd.f32 v28, v7  }
0xc2: {  	v17 =	vld [tilespmem:s19+$0xC860];
	v1 =	vadd.f32 v29, v1;
	v2 =	vadd.f32 v31, v2  }
0xc3: {  	v7 =	vadd.f32 v11, v5;
	v6 =	vadd.f32 v12, v6;
	v12 =	vld [tilespmem:s19+$0xC870]  }
0xc4: {  	v8 =	vadd.f32 v13, v8;
	v13 =	vadd.f32 v30, v4;
	v11 =	vld.idx.msk [tilespmem:v35+s14+$0x0], $0xffff  }
0xc5: {  	v5 =	vadd.f32 v14, v18;
	v14 =	vadd.f32 v32, v3;
	v18 =	vld.idx.msk [tilespmem:v36+s14+$0x0], $0xffff  }
0xc6: {  	v4 =	vadd.f32 v25, v1;
	v3 =	vadd.f32 v26, v13;
	v13 =	vld.idx.msk [tilespmem:v37+s14+$0x0], $0xffff  }
0xc7: {  	v2 =	vadd.f32 v33, v2;
	s19 =	simm.s32 $0x100;
	v1 =	vadd.f32 v34, v14;
	v14 =	vld.idx.msk [tilespmem:v38+s14+$0x0], $0xffff  }
.LBB2_6:
0xc8: {  	p0 =	sne.s32 s19, $0xC700;
	v25 =	vld.idx.msk [tilespmem:v16+s14+$0x0], $0xffff  }
0xc9: {  	v15 =	vld.idx.msk [tilespmem:v15+s14+$0x0], $0xffff  }
0xca: {  	v16 =	vld.idx.msk [tilespmem:v19+s14+$0x0], $0xffff  }
0xcb: {  	v19 =	vld.idx.msk [tilespmem:v20+s14+$0x0], $0xffff  }
0xcc: {  	v20 =	vld.idx.msk [tilespmem:v21+s14+$0x0], $0xffff  }
0xcd: {  	v21 =	vld.idx.msk [tilespmem:v22+s14+$0x0], $0xffff  }
0xce: {  	v22 =	vld.idx.msk [tilespmem:v23+s14+$0x0], $0xffff  }
0xcf: {  	v23 =	vld.idx.msk [tilespmem:v24+s14+$0x0], $0xffff  }
0xd0: {  	v17 =	vld.idx.msk [tilespmem:v17+s14+$0x0], $0xffff  }
0xd1: {  	s18 =	sadd.s32 $0x80, s18;
	v12 =	vld.idx.msk [tilespmem:v12+s14+$0x0], $0xffff  }
0xd2: {  	s20 =	sand.u32 $0xF800, s19;
	s21 =	sand.u32 $0x380, s18;
	v7 =	vadd.f32 v16, v7;
	v8 =	vadd.f32 v19, v8;
	v10 =	vld.idx.msk [tilespmem:v10+s14+$0x0], $0xffff  }
0xd3: {  	s20 =	sor.u32 s21, s20;
	v6 =	vadd.f32 v20, v6;
	v5 =	vadd.f32 v21, v5;
	v9 =	vld.idx.msk [tilespmem:v9+s14+$0x0], $0xffff  }
0xd4: {  	v7 =	vadd.f32 v11, v7;
	v8 =	vadd.f32 v18, v8;
	v26 =	vld [tilespmem:s20+$0xCC00]  }
0xd5: {  	v6 =	vadd.f32 v13, v6;
	v5 =	vadd.f32 v14, v5;
	v18 =	vld [tilespmem:s20+$0xCC10]  }
0xd6: {  	v4 =	vadd.f32 v22, v4;
	v3 =	vadd.f32 v23, v3;
	v13 =	vld [tilespmem:s20+$0xCC20]  }
0xd7: {  	v2 =	vadd.f32 v17, v2;
	v1 =	vadd.f32 v12, v1;
	v14 =	vld [tilespmem:s20+$0xCC30]  }
0xd8: {  	v4 =	vadd.f32 v25, v4;
	v3 =	vadd.f32 v15, v3;
	v16 =	vld [tilespmem:s20+$0xCC40]  }
0xd9: {  	v2 =	vadd.f32 v10, v2;
	v1 =	vadd.f32 v9, v1;
	v15 =	vld [tilespmem:s20+$0xCC50]  }
0xda: {  	v10 =	vld [tilespmem:s20+$0xCC60]  }
0xdb: {  	v9 =	vld [tilespmem:s20+$0xCC70]  }
0xdc: {  	v19 =	vld [tilespmem:s20+$0xC800]  }
0xdd: {  	v20 =	vld [tilespmem:s20+$0xC810]  }
0xde: {  	v21 =	vld [tilespmem:s20+$0xC820]  }
0xdf: {  	v22 =	vld [tilespmem:s20+$0xC830]  }
0xe0: {  	v23 =	vld [tilespmem:s20+$0xC840]  }
0xe1: {  	v24 =	vld [tilespmem:s20+$0xC850]  }
0xe2: {  	v17 =	vld [tilespmem:s20+$0xC860]  }
.Ltmp2:
0xe3: {  	v12 =	vld [tilespmem:s20+$0xC870];
	(pc) =	sbr.rel @p0 .LBB2_6-.Ltmp2, $4  }
0xe4: {  	v11 =	vld.idx.msk [tilespmem:v26+s14+$0x0], $0xffff  }
0xe5: {  	v18 =	vld.idx.msk [tilespmem:v18+s14+$0x0], $0xffff  }
0xe6: {  	v13 =	vld.idx.msk [tilespmem:v13+s14+$0x0], $0xffff  }
0xe7: {  	s19 =	sadd.s32 $0x100, s19;
	v14 =	vld.idx.msk [tilespmem:v14+s14+$0x0], $0xffff  }
0xe8: {  	_ =	sdelay $0x3  }
0xe9: {  	v19 =	vld.idx.msk [tilespmem:v19+s14+$0x0], $0xffff  }
0xea: {  	v20 =	vld.idx.msk [tilespmem:v20+s14+$0x0], $0xffff  }
0xeb: {  	v21 =	vld.idx.msk [tilespmem:v21+s14+$0x0], $0xffff;
	_ =	sdelay $0x1  }
0xec: {  	v22 =	vld.idx.msk [tilespmem:v22+s14+$0x0], $0xffff;
	_ =	sdelay $0x1  }
0xed: {  	v57 =	vld.idx.msk [tilespmem:v23+s14+$0x0], $0xffff;
	v7 =	vadd.f32 v19, v7;
	v8 =	vadd.f32 v20, v8  }
0xee: {  	v6 =	vadd.f32 v21, v6  }
0xef: {  	v58 =	vld.idx.msk [tilespmem:v24+s14+$0x0], $0xffff;
	v7 =	vadd.f32 v11, v7;
	v8 =	vadd.f32 v18, v8  }
0xf0: {  	v59 =	vld.idx.msk [tilespmem:v16+s14+$0x0], $0xffff;
	v5 =	vadd.f32 v22, v5  }
0xf1: {  	v60 =	vld.idx.msk [tilespmem:v17+s14+$0x0], $0xffff;
	v6 =	vadd.f32 v13, v6;
	v7 =	vadd.f32 v8, v7  }
0xf2: {  	v61 =	vld.idx.msk [tilespmem:v15+s14+$0x0], $0xffff;
	v4 =	vadd.f32 v57, v4  }
0xf3: {  	v12 =	vld.idx.msk [tilespmem:v12+s14+$0x0], $0xffff;
	v5 =	vadd.f32 v14, v5;
	v6 =	vadd.f32 v6, v7  }
0xf4: {  	v62 =	vld.idx.msk [tilespmem:v10+s14+$0x0], $0xffff;
	v3 =	vadd.f32 v58, v3  }
0xf5: {  	v4 =	vadd.f32 v59, v4;
	v5 =	vadd.f32 v5, v6  }
0xf6: {  	v63 =	vld.idx.msk [tilespmem:v9+s14+$0x0], $0xffff;
	v2 =	vadd.f32 v60, v2  }
0xf7: {  	v3 =	vadd.f32 v61, v3;
	v4 =	vadd.f32 v4, v5  }
0xf8: {  	v1 =	vadd.f32 v12, v1  }
0xf9: {  	v2 =	vadd.f32 v62, v2;
	v3 =	vadd.f32 v3, v4;
	_ =	sdelay $0x1  }
0xfa: {  	v1 =	vadd.f32 v63, v1;
	v2 =	vadd.f32 v2, v3;
	_ =	sdelay $0x1  }
0xfb: {  	s17 =	sadd.s32 $0x1, s17;
	v1 =	vadd.f32 v1, v2  }
0xfc: {  	p0 =	sne.s32 s17, s7  }
.Ltmp3:
0xfd: {  	[tilespmem:$0x1DE80] =	vst v1;
	(pc) =	sbr.rel @p0 .LBB2_1-.Ltmp3, $4  }
0xfe: {  	[hbm4b:s6+s2] =	stream.linear.scatter [tilespmem:s16], [sflag:$0x3], $0x80, $0x38;
	[tilespmem:$0x1DF00] =	vst v63  }
0xff: {  	_ =	swait.ge [sflag:s9], $0x80  }
0x100: {  	[sflag:s9] =	ssyncset.done $0x0  }
0x101: {  	[sflag:s9] =	ssyncadd.s32 $0xFFFFFF80  }
0x102: {  	_ =	sfence.sel $0x180000  }
0x103: {  	[bflag:$0x0] =	sbarrier.arrive $0xFFFF  }
0x104: {  	p0 =	sne.s32 s1, $0x0;
	_ =	strace $0x90000047  }
0x105: {  	s0 =	sadd.s32 @!p0 $0x100000, s0;
	[bflag:$0x2] =	sbarrier.arrive $0xFFFF  }
0x106: {  	[sflag:s0] =	ssyncadd.tile.s32 @!p0 $0x1;
	_ =	shalt  }
.Lfunc_end2:
_tile_overlayer_lowered:
.L_overlay_start_2:
0x107: {  	(tag) =	ssettag $0x2  }
0x108: {  	s0 =	rddreg [dreg:$0x0];
	s2 =	stileid.u32  }
0x109: {  	s1 =	rddreg [dreg:$0x1];
	p0 =	sne.s32 s2, $0x0  }
0x10a: {  	s3 =	rddreg [dreg:$0x2];
	[bflag:$0x3] =	sbarrier.arrive $0xFFFF;
	s2 =	simm.s32 @!p0 $0x1C03  }
0x10b: {  	[timem:s3], [sflag:s2] =	dma.local @!p0 [hbm:s0], s1  }
0x10c: {  	s0 =	simm.s32 @!p0 $0x3  }
0x10d: {  	_ =	swait.ge @!p0 [sflag:s0], s1  }
0x10e: {  	s1 =	ssub.s32 @!p0 $0x0, s1;
	[sflag:s0] =	ssyncset.done @!p0 $0x0  }
0x10f: {  	[sflag:s0] =	ssyncadd.s32 @!p0 s1  }
0x110: {  	[bflag:$0x3] =	sbarrier.arrive $0xFFFF  }
0x111: {  	_ =	shalt  }

</sc_bundles>
